<compile_context>
chip_gen: v7x
topology: tpu7x:2x2x1
jax: 0.10.2.dev20260603
libtpu: 0.0.44.dev20260713+nightly
codegen_flags: <defaults>
</compile_context>

<pallas_src>
import jax
import jax.numpy as jnp
from jax import lax
from jax.experimental import pallas as pl
from jax.experimental.pallas import tpu as pltpu
from jax.experimental.pallas import tpu_sc as plsc

_L = 16
_N = 256
_NF = 255.0


def _sc_body(x_hbm, grid_hbm, out_hbm, buf_v, buf_o, sem):
    cpx = pltpu.async_copy(x_hbm, buf_v.at[pl.ds(8, 3)], sem)

    lane = lax.iota(jnp.int32, _L)
    bxl = (lane >> 3) & 1
    byl = (lane >> 2) & 1
    bzl = (lane >> 1) & 1
    chl = lane & 1
    buf_o[...] = jnp.zeros((_L,), jnp.float32)
    cpx.wait()

    def bc(d):
        return plsc.load_gather(buf_v, [jnp.full((_L,), d + 8, jnp.int32)])

    def prep(c):
        f = c * _NF
        a0 = jnp.clip(jnp.clip(f, 0.0, _NF).astype(jnp.int32), 0, _N - 1)
        a1 = jnp.minimum(a0 + 1, _N - 1)
        w = f - a0.astype(jnp.float32)
        ok = (f >= 0.0) & (f <= _NF)
        return a0, a1, w, ok

    ix0, ix1, wx, okx = prep(bc(0))
    iy0, iy1, wy, oky = prep(bc(1))
    iz0, iz1, wz, okz = prep(bc(2))

    bx, by, bz, ch = bxl, byl, bzl, chl

    ixv = jnp.where(bx == 1, ix1, ix0)
    iyv = jnp.where(by == 1, iy1, iy0)
    izv = jnp.where(bz == 1, iz1, iz0)
    flat = (ixv * _N + iyv) * 512 + (izv >> 7) * 256 + ch * 128 + (izv & 127)

    cp = pltpu.async_copy(grid_hbm.at[flat], buf_v, sem)

    wxv = jnp.where(bx == 1, wx, 1.0 - wx)
    wyv = jnp.where(by == 1, wy, 1.0 - wy)
    wzv = jnp.where(bz == 1, wz, 1.0 - wz)
    validf = jnp.where(okx & oky & okz, 1.0, 0.0)
    wv = wxv * wyv * wzv * validf

    cp.wait()
    plsc.addupdate_scatter(buf_o, [ch], buf_v[...] * wv)
    pltpu.sync_copy(buf_o.at[pl.ds(0, 2)], out_hbm)


_sc_interp = pl.kernel(
    _sc_body,
    out_type=jax.ShapeDtypeStruct((2,), jnp.float32),
    mesh=plsc.VectorSubcoreMesh(
        core_axis_name="c", subcore_axis_name="s", num_cores=1, num_subcores=1
    ),
    compiler_params=pltpu.CompilerParams(needs_layout_passes=False),
    scratch_types=[
        pltpu.VMEM((_L,), jnp.float32),
        pltpu.VMEM((_L,), jnp.float32),
        pltpu.SemaphoreType.DMA,
    ],
)


def kernel(x, grid):
    gridf = grid.reshape(_N, _N, 2, 128, 2).transpose(0, 1, 2, 4, 3).reshape(-1)
    return _sc_interp(x, gridf)

# --- scband reference (transcript-rebuilt; emitter-appended) ---
"""Pipeline reference for scband-simple-grid-26697516712334 (READ-ONLY COPY).

The authoritative reference and input builder live on the scoring server;
editing this copy changes nothing except your own understanding.
"""

import jax, jax.numpy as jnp
import numpy as np

SIZE = (256, 256, 256)
LOWER = np.zeros((3,), dtype=np.float32)
RESOLUTION = np.float32(255.0)


def interpolate(index, grid):
    # Trilinear interpolation of `grid` at fractional coordinate `index` ([3]).
    dims = jnp.array(grid.shape[:3], dtype=jnp.int32)
    i0 = jnp.clip(jnp.floor(index).astype(jnp.int32), 0, dims - 1)
    i1 = jnp.clip(i0 + 1, 0, dims - 1)
    w = index - i0.astype(index.dtype)
    wx, wy, wz = w[0], w[1], w[2]
    c000 = grid[i0[0], i0[1], i0[2]]
    c001 = grid[i0[0], i0[1], i1[2]]
    c010 = grid[i0[0], i1[1], i0[2]]
    c011 = grid[i0[0], i1[1], i1[2]]
    c100 = grid[i1[0], i0[1], i0[2]]
    c101 = grid[i1[0], i0[1], i1[2]]
    c110 = grid[i1[0], i1[1], i0[2]]
    c111 = grid[i1[0], i1[1], i1[2]]
    c00 = c000 * (1.0 - wx) + c100 * wx
    c01 = c001 * (1.0 - wx) + c101 * wx
    c10 = c010 * (1.0 - wx) + c110 * wx
    c11 = c011 * (1.0 - wx) + c111 * wx
    c0 = c00 * (1.0 - wy) + c10 * wy
    c1 = c01 * (1.0 - wy) + c11 * wy
    return c0 * (1.0 - wz) + c1 * wz


def setup_inputs(seed: int = 0) -> dict:
    key = jax.random.key(seed)
    kx, kg = jax.random.split(key)
    # Query point in [0, 1)^3; with resolution=255 this maps onto [0, 255) indices.
    x = jax.random.uniform(kx, (3,), dtype=jnp.float32)
    # Learned reflectance grid parameter hk.get_parameter('grid', (*size, 2)).
    # (Original init is zeros; use random values so the output is non-trivial.)
    grid = jax.random.uniform(kg, (*SIZE, 2), dtype=jnp.float32)
    return {"x": x, "grid": grid}


def reference(x, grid):
    lower = jnp.asarray(LOWER, dtype=jnp.float32)
    resolution = jnp.asarray(RESOLUTION, dtype=jnp.float32)
    index = (x - lower) * resolution
    size = jnp.array(SIZE, dtype=jnp.float32)
    valid = jnp.all((0.0 <= index) & (index <= size - 1.0))
    return jnp.where(valid, interpolate(index, grid), jnp.zeros((2,), dtype=jnp.float32))

if __name__ == "__main__":
    import jax
    _d = setup_inputs()
    print(jax.jit(kernel)(*tuple(_d.values())))

</pallas_src>

<mosaic_0001>
#map = affine_map<(d0, d1) -> (0)>
module attributes {stable_mosaic.version = 14 : i64} {
  func.func @_sc_body(%arg0: i32, %arg1: i32, %arg2: memref<3xf32, #tpu.memory_space<hbm>>, %arg3: memref<33554432xf32, #tpu.memory_space<hbm>>, %arg4: memref<2xf32, #tpu.memory_space<hbm>>, %arg5: memref<16xf32, #tpu.memory_space<vmem>>, %arg6: memref<16xf32, #tpu.memory_space<vmem>>, %arg7: memref<!tpu.dma_semaphore, #tpu.memory_space<semaphore_mem>>) attributes {dimension_semantics = [#tpu.dimension_semantics<core_parallel>, #tpu.dimension_semantics<subcore_parallel>], iteration_bounds = array<i64: 1, 1>, scalar_prefetch = 0 : i64, scratch_operands = 3 : i64, tpu.core_type = #tpu.core_type<sc_vector_subcore>, window_params = [{transform_indices = #map}, {transform_indices = #map}, {transform_indices = #map}]} {
    %dma_start3A = arith.constant 8 : i32
    %dma_start3A_0 = tpu.memref_slice %arg5[%dma_start3A] : memref<16xf32, #tpu.memory_space<vmem>> -> memref<3xf32, #tpu.memory_space<vmem>>
    %dma_start3A_1 = arith.constant 8 : i32
    %dma_start3A_2 = tpu.memref_slice %arg5[%dma_start3A_1] : memref<16xf32, #tpu.memory_space<vmem>> -> memref<3xf32, #tpu.memory_space<vmem>>
    tpu.enqueue_dma source(%arg2 : memref<3xf32, #tpu.memory_space<hbm>>) target(%dma_start3A_2 : memref<3xf32, #tpu.memory_space<vmem>>) target_semaphore(%arg7 : memref<!tpu.dma_semaphore, #tpu.memory_space<semaphore_mem>>)
    %iota3A = tpu.iota {dimensions = array<i32: 0>} : vector<16xi32>
    %shift_right_arithmetic3A = arith.constant 3 : i32
    %shift_right_arithmetic3A_3 = vector.broadcast %shift_right_arithmetic3A : i32 to vector<16xi32>
    %shift_right_arithmetic3A_4 = arith.shrsi %iota3A, %shift_right_arithmetic3A_3 : vector<16xi32>
    %and3A = arith.constant 1 : i32
    %and3A_5 = vector.broadcast %and3A : i32 to vector<16xi32>
    %and3A_6 = arith.andi %shift_right_arithmetic3A_4, %and3A_5 : vector<16xi32>
    %shift_right_arithmetic3A_7 = arith.constant 2 : i32
    %shift_right_arithmetic3A_8 = vector.broadcast %shift_right_arithmetic3A_7 : i32 to vector<16xi32>
    %shift_right_arithmetic3A_9 = arith.shrsi %iota3A, %shift_right_arithmetic3A_8 : vector<16xi32>
    %and3A_10 = arith.constant 1 : i32
    %and3A_11 = vector.broadcast %and3A_10 : i32 to vector<16xi32>
    %and3A_12 = arith.andi %shift_right_arithmetic3A_9, %and3A_11 : vector<16xi32>
    %shift_right_arithmetic3A_13 = arith.constant 1 : i32
    %shift_right_arithmetic3A_14 = vector.broadcast %shift_right_arithmetic3A_13 : i32 to vector<16xi32>
    %shift_right_arithmetic3A_15 = arith.shrsi %iota3A, %shift_right_arithmetic3A_14 : vector<16xi32>
    %and3A_16 = arith.constant 1 : i32
    %and3A_17 = vector.broadcast %and3A_16 : i32 to vector<16xi32>
    %and3A_18 = arith.andi %shift_right_arithmetic3A_15, %and3A_17 : vector<16xi32>
    %and3A_19 = arith.constant 1 : i32
    %and3A_20 = vector.broadcast %and3A_19 : i32 to vector<16xi32>
    %and3A_21 = arith.andi %iota3A, %and3A_20 : vector<16xi32>
    %broadcast_in_dim3A = arith.constant 0.000000e+00 : f32
    %broadcast_in_dim3A_22 = vector.broadcast %broadcast_in_dim3A : f32 to vector<16xf32>
    %swap3A = arith.constant 0 : index
    %swap3A_23 = tpu.vector_load %arg6[%swap3A] {strides = array<i32>} : memref<16xf32, #tpu.memory_space<vmem>>, vector<16xf32>,
    tpu.vector_store %arg6[%swap3A], %broadcast_in_dim3A_22 {strides = array<i32>} : memref<16xf32, #tpu.memory_space<vmem>>, vector<16xf32>,
    %dma_wait3A = arith.constant 8 : i32
    %dma_wait3A_24 = tpu.memref_slice %arg5[%dma_wait3A] : memref<16xf32, #tpu.memory_space<vmem>> -> memref<3xf32, #tpu.memory_space<vmem>>
    %dma_wait3A_25 = arith.constant 8 : i32
    %dma_wait3A_26 = tpu.memref_slice %arg5[%dma_wait3A_25] : memref<16xf32, #tpu.memory_space<vmem>> -> memref<3xf32, #tpu.memory_space<vmem>>
    tpu.wait_dma2 semaphore(%arg7 : memref<!tpu.dma_semaphore, #tpu.memory_space<semaphore_mem>>) src(%arg2 : memref<3xf32, #tpu.memory_space<hbm>>) dst(%dma_wait3A_26 : memref<3xf32, #tpu.memory_space<vmem>>)
    %broadcast_in_dim3A_27 = arith.constant 8 : i32
    %broadcast_in_dim3A_28 = vector.broadcast %broadcast_in_dim3A_27 : i32 to vector<16xi32>
    %gather3A = tpu.vector_load_idx %arg5[%broadcast_in_dim3A_28] : memref<16xf32, #tpu.memory_space<vmem>>[vector<16xi32>], vector<16xf32>,
    %mul3A = arith.constant 2.550000e+02 : f32
    %mul3A_29 = vector.broadcast %mul3A : f32 to vector<16xf32>
    %mul3A_30 = arith.mulf %gather3A, %mul3A_29 : vector<16xf32>
    %jit3A = arith.constant 0.000000e+00 : f32
    %jit3A_31 = arith.constant 2.550000e+02 : f32
    %max3A = vector.broadcast %jit3A : f32 to vector<16xf32>
    %max3A_32 = arith.maximumf %max3A, %mul3A_30 : vector<16xf32>
    %min3A = vector.broadcast %jit3A_31 : f32 to vector<16xf32>
    %min3A_33 = arith.minimumf %min3A, %max3A_32 : vector<16xf32>
    %convert_element_type3A = arith.fptosi %min3A_33 : vector<16xf32> to vector<16xi32>
    %jit3A_34 = arith.constant 0 : i32
    %jit3A_35 = arith.constant 255 : i32
    %max3A_36 = vector.broadcast %jit3A_34 : i32 to vector<16xi32>
    %max3A_37 = arith.maxsi %max3A_36, %convert_element_type3A : vector<16xi32>
    %min3A_38 = vector.broadcast %jit3A_35 : i32 to vector<16xi32>
    %min3A_39 = arith.minsi %min3A_38, %max3A_37 : vector<16xi32>
    %add3A = arith.constant 1 : i32
    %add3A_40 = vector.broadcast %add3A : i32 to vector<16xi32>
    %add3A_41 = arith.addi %min3A_39, %add3A_40 : vector<16xi32>
    %min3A_42 = arith.constant 255 : i32
    %min3A_43 = vector.broadcast %min3A_42 : i32 to vector<16xi32>
    %min3A_44 = arith.minsi %add3A_41, %min3A_43 : vector<16xi32>
    %convert_element_type3A_45 = arith.sitofp %min3A_39 : vector<16xi32> to vector<16xf32>
    %sub3A = arith.subf %mul3A_30, %convert_element_type3A_45 : vector<16xf32>
    %ge3A = arith.constant 0.000000e+00 : f32
    %ge3A_46 = vector.broadcast %ge3A : f32 to vector<16xf32>
    %ge3A_47 = arith.cmpf oge, %mul3A_30, %ge3A_46 : vector<16xf32>
    %le3A = arith.constant 2.550000e+02 : f32
    %le3A_48 = vector.broadcast %le3A : f32 to vector<16xf32>
    %le3A_49 = arith.cmpf ole, %mul3A_30, %le3A_48 : vector<16xf32>
    %and3A_50 = arith.andi %ge3A_47, %le3A_49 : vector<16xi1>
    %broadcast_in_dim3A_51 = arith.constant 9 : i32
    %broadcast_in_dim3A_52 = vector.broadcast %broadcast_in_dim3A_51 : i32 to vector<16xi32>
    %gather3A_53 = tpu.vector_load_idx %arg5[%broadcast_in_dim3A_52] : memref<16xf32, #tpu.memory_space<vmem>>[vector<16xi32>], vector<16xf32>,
    %mul3A_54 = arith.constant 2.550000e+02 : f32
    %mul3A_55 = vector.broadcast %mul3A_54 : f32 to vector<16xf32>
    %mul3A_56 = arith.mulf %gather3A_53, %mul3A_55 : vector<16xf32>
    %jit3A_57 = arith.constant 0.000000e+00 : f32
    %jit3A_58 = arith.constant 2.550000e+02 : f32
    %max3A_59 = vector.broadcast %jit3A_57 : f32 to vector<16xf32>
    %max3A_60 = arith.maximumf %max3A_59, %mul3A_56 : vector<16xf32>
    %min3A_61 = vector.broadcast %jit3A_58 : f32 to vector<16xf32>
    %min3A_62 = arith.minimumf %min3A_61, %max3A_60 : vector<16xf32>
    %convert_element_type3A_63 = arith.fptosi %min3A_62 : vector<16xf32> to vector<16xi32>
    %jit3A_64 = arith.constant 0 : i32
    %jit3A_65 = arith.constant 255 : i32
    %max3A_66 = vector.broadcast %jit3A_64 : i32 to vector<16xi32>
    %max3A_67 = arith.maxsi %max3A_66, %convert_element_type3A_63 : vector<16xi32>
    %min3A_68 = vector.broadcast %jit3A_65 : i32 to vector<16xi32>
    %min3A_69 = arith.minsi %min3A_68, %max3A_67 : vector<16xi32>
    %add3A_70 = arith.constant 1 : i32
    %add3A_71 = vector.broadcast %add3A_70 : i32 to vector<16xi32>
    %add3A_72 = arith.addi %min3A_69, %add3A_71 : vector<16xi32>
    %min3A_73 = arith.constant 255 : i32
    %min3A_74 = vector.broadcast %min3A_73 : i32 to vector<16xi32>
    %min3A_75 = arith.minsi %add3A_72, %min3A_74 : vector<16xi32>
    %convert_element_type3A_76 = arith.sitofp %min3A_69 : vector<16xi32> to vector<16xf32>
    %sub3A_77 = arith.subf %mul3A_56, %convert_element_type3A_76 : vector<16xf32>
    %ge3A_78 = arith.constant 0.000000e+00 : f32
    %ge3A_79 = vector.broadcast %ge3A_78 : f32 to vector<16xf32>
    %ge3A_80 = arith.cmpf oge, %mul3A_56, %ge3A_79 : vector<16xf32>
    %le3A_81 = arith.constant 2.550000e+02 : f32
    %le3A_82 = vector.broadcast %le3A_81 : f32 to vector<16xf32>
    %le3A_83 = arith.cmpf ole, %mul3A_56, %le3A_82 : vector<16xf32>
    %and3A_84 = arith.andi %ge3A_80, %le3A_83 : vector<16xi1>
    %broadcast_in_dim3A_85 = arith.constant 10 : i32
    %broadcast_in_dim3A_86 = vector.broadcast %broadcast_in_dim3A_85 : i32 to vector<16xi32>
    %gather3A_87 = tpu.vector_load_idx %arg5[%broadcast_in_dim3A_86] : memref<16xf32, #tpu.memory_space<vmem>>[vector<16xi32>], vector<16xf32>,
    %mul3A_88 = arith.constant 2.550000e+02 : f32
    %mul3A_89 = vector.broadcast %mul3A_88 : f32 to vector<16xf32>
    %mul3A_90 = arith.mulf %gather3A_87, %mul3A_89 : vector<16xf32>
    %jit3A_91 = arith.constant 0.000000e+00 : f32
    %jit3A_92 = arith.constant 2.550000e+02 : f32
    %max3A_93 = vector.broadcast %jit3A_91 : f32 to vector<16xf32>
    %max3A_94 = arith.maximumf %max3A_93, %mul3A_90 : vector<16xf32>
    %min3A_95 = vector.broadcast %jit3A_92 : f32 to vector<16xf32>
    %min3A_96 = arith.minimumf %min3A_95, %max3A_94 : vector<16xf32>
    %convert_element_type3A_97 = arith.fptosi %min3A_96 : vector<16xf32> to vector<16xi32>
    %jit3A_98 = arith.constant 0 : i32
    %jit3A_99 = arith.constant 255 : i32
    %max3A_100 = vector.broadcast %jit3A_98 : i32 to vector<16xi32>
    %max3A_101 = arith.maxsi %max3A_100, %convert_element_type3A_97 : vector<16xi32>
    %min3A_102 = vector.broadcast %jit3A_99 : i32 to vector<16xi32>
    %min3A_103 = arith.minsi %min3A_102, %max3A_101 : vector<16xi32>
    %add3A_104 = arith.constant 1 : i32
    %add3A_105 = vector.broadcast %add3A_104 : i32 to vector<16xi32>
    %add3A_106 = arith.addi %min3A_103, %add3A_105 : vector<16xi32>
    %min3A_107 = arith.constant 255 : i32
    %min3A_108 = vector.broadcast %min3A_107 : i32 to vector<16xi32>
    %min3A_109 = arith.minsi %add3A_106, %min3A_108 : vector<16xi32>
    %convert_element_type3A_110 = arith.sitofp %min3A_103 : vector<16xi32> to vector<16xf32>
    %sub3A_111 = arith.subf %mul3A_90, %convert_element_type3A_110 : vector<16xf32>
    %ge3A_112 = arith.constant 0.000000e+00 : f32
    %ge3A_113 = vector.broadcast %ge3A_112 : f32 to vector<16xf32>
    %ge3A_114 = arith.cmpf oge, %mul3A_90, %ge3A_113 : vector<16xf32>
    %le3A_115 = arith.constant 2.550000e+02 : f32
    %le3A_116 = vector.broadcast %le3A_115 : f32 to vector<16xf32>
    %le3A_117 = arith.cmpf ole, %mul3A_90, %le3A_116 : vector<16xf32>
    %and3A_118 = arith.andi %ge3A_114, %le3A_117 : vector<16xi1>
    %eq3A = arith.constant 1 : i32
    %eq3A_119 = vector.broadcast %eq3A : i32 to vector<16xi32>
    %eq3A_120 = arith.cmpi eq, %and3A_6, %eq3A_119 : vector<16xi32>
    %select_n3A = arith.select %eq3A_120, %min3A_44, %min3A_39 : vector<16xi1>, vector<16xi32>
    %eq3A_121 = arith.constant 1 : i32
    %eq3A_122 = vector.broadcast %eq3A_121 : i32 to vector<16xi32>
    %eq3A_123 = arith.cmpi eq, %and3A_12, %eq3A_122 : vector<16xi32>
    %select_n3A_124 = arith.select %eq3A_123, %min3A_75, %min3A_69 : vector<16xi1>, vector<16xi32>
    %eq3A_125 = arith.constant 1 : i32
    %eq3A_126 = vector.broadcast %eq3A_125 : i32 to vector<16xi32>
    %eq3A_127 = arith.cmpi eq, %and3A_18, %eq3A_126 : vector<16xi32>
    %select_n3A_128 = arith.select %eq3A_127, %min3A_109, %min3A_103 : vector<16xi1>, vector<16xi32>
    %mul3A_129 = arith.constant 256 : i32
    %mul3A_130 = vector.broadcast %mul3A_129 : i32 to vector<16xi32>
    %mul3A_131 = arith.muli %select_n3A, %mul3A_130 : vector<16xi32>
    %add3A_132 = arith.addi %mul3A_131, %select_n3A_124 : vector<16xi32>
    %mul3A_133 = arith.constant 512 : i32
    %mul3A_134 = vector.broadcast %mul3A_133 : i32 to vector<16xi32>
    %mul3A_135 = arith.muli %add3A_132, %mul3A_134 : vector<16xi32>
    %shift_right_arithmetic3A_136 = arith.constant 7 : i32
    %shift_right_arithmetic3A_137 = vector.broadcast %shift_right_arithmetic3A_136 : i32 to vector<16xi32>
    %shift_right_arithmetic3A_138 = arith.shrsi %select_n3A_128, %shift_right_arithmetic3A_137 : vector<16xi32>
    %mul3A_139 = arith.constant 256 : i32
    %mul3A_140 = vector.broadcast %mul3A_139 : i32 to vector<16xi32>
    %mul3A_141 = arith.muli %shift_right_arithmetic3A_138, %mul3A_140 : vector<16xi32>
    %add3A_142 = arith.addi %mul3A_135, %mul3A_141 : vector<16xi32>
    %mul3A_143 = arith.constant 128 : i32
    %mul3A_144 = vector.broadcast %mul3A_143 : i32 to vector<16xi32>
    %mul3A_145 = arith.muli %and3A_21, %mul3A_144 : vector<16xi32>
    %add3A_146 = arith.addi %add3A_142, %mul3A_145 : vector<16xi32>
    %and3A_147 = arith.constant 127 : i32
    %and3A_148 = vector.broadcast %and3A_147 : i32 to vector<16xi32>
    %and3A_149 = arith.andi %select_n3A_128, %and3A_148 : vector<16xi32>
    %add3A_150 = arith.addi %add3A_146, %and3A_149 : vector<16xi32>
    %dma_start3A_151 = arith.constant 0 : i32
    %dma_start3A_152 = tpu.memref_slice %arg3[%dma_start3A_151] : memref<33554432xf32, #tpu.memory_space<hbm>> -> memref<33554432xf32, #tpu.memory_space<hbm>>
    tpu.enqueue_indirect_dma source(%dma_start3A_152 : memref<33554432xf32, #tpu.memory_space<hbm>>) target(%arg5 : memref<16xf32, #tpu.memory_space<vmem>>) offsets(%add3A_150 : vector<16xi32>) semaphore(%arg7 : memref<!tpu.dma_semaphore, #tpu.memory_space<semaphore_mem>>)
    %eq3A_153 = arith.constant 1 : i32
    %eq3A_154 = vector.broadcast %eq3A_153 : i32 to vector<16xi32>
    %eq3A_155 = arith.cmpi eq, %and3A_6, %eq3A_154 : vector<16xi32>
    %sub3A_156 = arith.constant 1.000000e+00 : f32
    %sub3A_157 = vector.broadcast %sub3A_156 : f32 to vector<16xf32>
    %sub3A_158 = arith.subf %sub3A_157, %sub3A : vector<16xf32>
    %select_n3A_159 = arith.select %eq3A_155, %sub3A, %sub3A_158 : vector<16xi1>, vector<16xf32>
    %eq3A_160 = arith.constant 1 : i32
    %eq3A_161 = vector.broadcast %eq3A_160 : i32 to vector<16xi32>
    %eq3A_162 = arith.cmpi eq, %and3A_12, %eq3A_161 : vector<16xi32>
    %sub3A_163 = arith.constant 1.000000e+00 : f32
    %sub3A_164 = vector.broadcast %sub3A_163 : f32 to vector<16xf32>
    %sub3A_165 = arith.subf %sub3A_164, %sub3A_77 : vector<16xf32>
    %select_n3A_166 = arith.select %eq3A_162, %sub3A_77, %sub3A_165 : vector<16xi1>, vector<16xf32>
    %eq3A_167 = arith.constant 1 : i32
    %eq3A_168 = vector.broadcast %eq3A_167 : i32 to vector<16xi32>
    %eq3A_169 = arith.cmpi eq, %and3A_18, %eq3A_168 : vector<16xi32>
    %sub3A_170 = arith.constant 1.000000e+00 : f32
    %sub3A_171 = vector.broadcast %sub3A_170 : f32 to vector<16xf32>
    %sub3A_172 = arith.subf %sub3A_171, %sub3A_111 : vector<16xf32>
    %select_n3A_173 = arith.select %eq3A_169, %sub3A_111, %sub3A_172 : vector<16xi1>, vector<16xf32>
    %and3A_174 = arith.andi %and3A_50, %and3A_84 : vector<16xi1>
    %and3A_175 = arith.andi %and3A_174, %and3A_118 : vector<16xi1>
    %jit3A_176 = arith.constant 1.000000e+00 : f32
    %jit3A_177 = arith.constant 0.000000e+00 : f32
    %broadcast_in_dim3A_178 = vector.broadcast %jit3A_176 : f32 to vector<16xf32>
    %broadcast_in_dim3A_179 = vector.broadcast %jit3A_177 : f32 to vector<16xf32>
    %select_n3A_180 = arith.select %and3A_175, %broadcast_in_dim3A_178, %broadcast_in_dim3A_179 : vector<16xi1>, vector<16xf32>
    %mul3A_181 = arith.mulf %select_n3A_159, %select_n3A_166 : vector<16xf32>
    %mul3A_182 = arith.mulf %mul3A_181, %select_n3A_173 : vector<16xf32>
    %mul3A_183 = arith.mulf %mul3A_182, %select_n3A_180 : vector<16xf32>
    %dma_wait3A_184 = arith.constant 0 : i32
    %dma_wait3A_185 = tpu.memref_slice %arg3[%dma_wait3A_184] : memref<33554432xf32, #tpu.memory_space<hbm>> -> memref<33554432xf32, #tpu.memory_space<hbm>>
    tpu.wait_indirect_dma semaphore(%arg7 : memref<!tpu.dma_semaphore, #tpu.memory_space<semaphore_mem>>) src(%dma_wait3A_185 : memref<33554432xf32, #tpu.memory_space<hbm>>) dst(%arg5 : memref<16xf32, #tpu.memory_space<vmem>>)
    %get3A = arith.constant 0 : index
    %get3A_186 = tpu.vector_load %arg5[%get3A] {strides = array<i32>} : memref<16xf32, #tpu.memory_space<vmem>>, vector<16xf32>,
    %mul3A_187 = arith.mulf %get3A_186, %mul3A_183 : vector<16xf32>
    tpu.vector_store_idx %arg6[%and3A_21], %mul3A_187 {add = true} : memref<16xf32, #tpu.memory_space<vmem>>[vector<16xi32>], vector<16xf32>,
    "tpu.region"() ({
      %run_scoped3A = tpu.sem_alloc : memref<!tpu.dma_semaphore, #tpu.memory_space<semaphore_mem>>
      %dma_start3A_188 = arith.constant 0 : i32
      %dma_start3A_189 = tpu.memref_slice %arg6[%dma_start3A_188] : memref<16xf32, #tpu.memory_space<vmem>> -> memref<2xf32, #tpu.memory_space<vmem>>
      %dma_start3A_190 = arith.constant 0 : i32
      %dma_start3A_191 = tpu.memref_slice %arg6[%dma_start3A_190] : memref<16xf32, #tpu.memory_space<vmem>> -> memref<2xf32, #tpu.memory_space<vmem>>
      tpu.enqueue_dma source(%dma_start3A_191 : memref<2xf32, #tpu.memory_space<vmem>>) target(%arg4 : memref<2xf32, #tpu.memory_space<hbm>>) target_semaphore(%run_scoped3A : memref<!tpu.dma_semaphore, #tpu.memory_space<semaphore_mem>>)
      %dma_wait3A_192 = arith.constant 0 : i32
      %dma_wait3A_193 = tpu.memref_slice %arg6[%dma_wait3A_192] : memref<16xf32, #tpu.memory_space<vmem>> -> memref<2xf32, #tpu.memory_space<vmem>>
      %dma_wait3A_194 = arith.constant 0 : i32
      %dma_wait3A_195 = tpu.memref_slice %arg6[%dma_wait3A_194] : memref<16xf32, #tpu.memory_space<vmem>> -> memref<2xf32, #tpu.memory_space<vmem>>
      tpu.wait_dma2 semaphore(%run_scoped3A : memref<!tpu.dma_semaphore, #tpu.memory_space<semaphore_mem>>) src(%dma_wait3A_195 : memref<2xf32, #tpu.memory_space<vmem>>) dst(%arg4 : memref<2xf32, #tpu.memory_space<hbm>>)
      tpu.yield
    }) : () -> ()
    return
  }
}

</mosaic_0001>

<sc_bundles>
// kernel: kernel.3.cloned.1.call-start
scs
__scs_entry_jumppad:
0x0: {  	(pc) =	sbr.rel $0x88, $3  }
0x1: {  	(tag) =	ssettag $0x0;
	lr =	simm.s32 $0x1  }
0x2: {  	[smem:$0x3F9F] =	sst lr;
	_ =	strace $0xD0000000  }
0x3: {  	_ = 	snop  }
0x4: {  	_ = 	snop  }
0x5: {  	_ = 	snop  }
0x6: {  	_ = 	snop  }
0x7: {  	_ = 	snop  }
__scs_overlays_trampoline_lowered:
0x8: {  	[smem:$0x3FAE] =	sst s0  }
0x9: {  	[smem:$0x3FAF] =	sst s1  }
0xa: {  	[smem:$0x3FB0] =	sst s2  }
0xb: {  	[smem:$0x3FB1] =	sst s3  }
0xc: {  	[smem:$0x3FB2] =	sst s4  }
0xd: {  	[smem:$0x3FB3] =	sst s5  }
0xe: {  	[smem:$0x3FB4] =	sst s6  }
0xf: {  	[smem:$0x3FB5] =	sst s7  }
0x10: {  	[smem:$0x3FB6] =	sst s8  }
0x11: {  	[smem:$0x3FB7] =	sst s9;
	s0 =	simm.s32 @!p0 $0x0  }
0x12: {  	s1 =	sld [smem:$0x3F9D];
	s0 =	simm.s32 @p0 $0x1  }
0x13: {  	[smem:$0x3FB8] =	sst s0;
	s0 =	simm.s32 @!p1 $0x0  }
0x14: {  	s2 =	sld [smem:$0x3F9C];
	s0 =	simm.s32 @p1 $0x1  }
0x15: {  	[smem:$0x3FB9] =	sst s0;
	s0 =	simm.s32 @!p2 $0x0  }
0x16: {  	s3 =	sld [smem:$0x3FDB];
	s0 =	simm.s32 @p2 $0x1  }
0x17: {  	s4 =	simm.s32 $0x1BF5;
	[smem:$0x3FBB] =	sst s0  }
0x18: {  	s0 =	sld [smem:$0x3F9E];
	_ =	swait.ge [sflag:s4], $0x0  }
0x19: {  	s7 =	sld [smem:$0x3F9F]  }
0x1a: {  	s8 =	sadd.s32 $0xFFFFE003, lr  }
0x1b: {  	s9 =	sadd.s32 $0xFFFFFEF7, lr;
	s5 =	simm.s32 $0xFFFFFFFF;
	p2 =	slt.u32 s8, $0xFFFFF086  }
0x1c: {  	p1 =	slt.u32 s9, $0xF7A;
	s5 =	simm.s32 @!p2 $0x0  }
0x1d: {  	s5 =	simm.s32 @p1 $0x1;
	p0 =	seq.s32 s7, s2  }
0x1e: {  	s7 =	smul.u32 @!p0 $0xF7A, s2;
	p2 =	seq.s32 @!p0 s5, $0x0  }
0x1f: {  	s9 =	smul.u32 $0xF7A, s1;
	s8 =	simm.s32 @!p0 $0x1BF5;
	p2 =	por !p2, p0  }
0x20: {  	[sflag:s8] =	ssyncset.s32 @!p0 $0xFFFFF086;
	s6 =	sadd.s32 @!p0 s3, s7;
	s7 =	simm.s32 @!p0 $0x108  }
0x21: {  	s3 =	sadd.s32 s3, s9;
	s6 =	sadd.s32 @!p0 $0x88, s6;
	s7 =	simm.s32 @p2 $0x1082  }
0x22: {  	[simem:s7], [sflag:s8] =	dma.local @!p0 [hbm:s6], $0xF7A  }
0x23: {  	s9 =	sor.u32 $0xD0000000, s2;
	s6 =	simm.s32 $0x108;
	_ =	swait.ge @!p0 [sflag:s8], $0x0  }
0x24: {  	s3 =	sadd.s32 $0x88, s3;
	s6 =	simm.s32 @!p1 $0x1082;
	[sflag:s4] =	ssyncset.s32 $0xFFFFF086  }
0x25: {  	[simem:s6], [sflag:s4] =	dma.local [hbm:s3], $0xF7A  }
0x26: {  	[smem:$0x3F9F] =	sst s1;
	(tag) =	ssettag s2;
	_ =	strace s9  }
0x27: {  	s1 =	sld [smem:$0x3FAF]  }
0x28: {  	s2 =	sld [smem:$0x3FB0]  }
0x29: {  	s4 =	sld [smem:$0x3FB2]  }
0x2a: {  	p0 =	seq.s32 s5, $0x0;
	s5 =	sld [smem:$0x3FB3]  }
0x2b: {  	s6 =	sld [smem:$0x3FB4]  }
0x2c: {  	s7 =	sld [smem:$0x3FB5]  }
0x2d: {  	s3 =	simm.s32 $0x108;
	s8 =	sld [smem:$0x3FB6]  }
0x2e: {  	s3 =	simm.s32 @!p0 $0x1082;
	s9 =	sld [smem:$0x3FB7]  }
0x2f: {  	lr =	sadd.s32 s0, s3;
	s0 =	sld [smem:$0x3FAE]  }
0x30: {  	s3 =	sld [smem:$0x3FB1]  }
0x31: {  	[smem:$0x3FBA] =	sst s10  }
0x32: {  	s10 =	sld [smem:$0x3FB8];
	_ =	sdelay $0x3  }
0x33: {  	p0 =	seq.s32 s10, $0x1;
	s10 =	sld [smem:$0x3FBA];
	_ =	sdelay $0x3  }
0x34: {  	[smem:$0x3FBA] =	sst s10  }
0x35: {  	s10 =	sld [smem:$0x3FB9];
	_ =	sdelay $0x3  }
0x36: {  	p1 =	seq.s32 s10, $0x1;
	s10 =	sld [smem:$0x3FBA];
	_ =	sdelay $0x3  }
0x37: {  	[smem:$0x3FBA] =	sst s10  }
0x38: {  	s10 =	sld [smem:$0x3FBB]  }
0x39: {  	_ = 	snop;
	(pc) =	sbr.ind lr, $3  }
0x3a: {  	_ = 	snop  }
0x3b: {  	_ = 	snop  }
0x3c: {  	p2 =	seq.s32 s10, $0x1;
	s10 =	sld [smem:$0x3FBA]  }
0x3d: {  	_ =	shalt  }
0x3e: {  	_ =	shalt  }
0x3f: {  	_ =	shalt  }
0x40: {  	_ =	shalt  }
0x41: {  	_ =	shalt  }
0x42: {  	_ =	shalt  }
0x43: {  	_ =	shalt  }
0x44: {  	_ =	shalt  }
0x45: {  	_ =	shalt  }
0x46: {  	_ =	shalt  }
0x47: {  	_ =	shalt  }
0x48: {  	_ =	shalt  }
0x49: {  	_ =	shalt  }
0x4a: {  	_ =	shalt  }
0x4b: {  	_ =	shalt  }
0x4c: {  	_ =	shalt  }
0x4d: {  	_ =	shalt  }
0x4e: {  	_ =	shalt  }
0x4f: {  	_ =	shalt  }
0x50: {  	_ =	shalt  }
0x51: {  	_ =	shalt  }
0x52: {  	_ =	shalt  }
0x53: {  	_ =	shalt  }
0x54: {  	_ =	shalt  }
0x55: {  	_ =	shalt  }
0x56: {  	_ =	shalt  }
0x57: {  	_ =	shalt  }
0x58: {  	_ =	shalt  }
0x59: {  	_ =	shalt  }
0x5a: {  	_ =	shalt  }
0x5b: {  	_ =	shalt  }
0x5c: {  	_ =	shalt  }
0x5d: {  	_ =	shalt  }
0x5e: {  	_ =	shalt  }
0x5f: {  	_ =	shalt  }
0x60: {  	_ =	shalt  }
0x61: {  	_ =	shalt  }
0x62: {  	_ =	shalt  }
0x63: {  	_ =	shalt  }
0x64: {  	_ =	shalt  }
0x65: {  	_ =	shalt  }
0x66: {  	_ =	shalt  }
0x67: {  	_ =	shalt  }
0x68: {  	_ =	shalt  }
0x69: {  	_ =	shalt  }
0x6a: {  	_ =	shalt  }
0x6b: {  	_ =	shalt  }
0x6c: {  	_ =	shalt  }
0x6d: {  	_ =	shalt  }
0x6e: {  	_ =	shalt  }
0x6f: {  	_ =	shalt  }
0x70: {  	_ =	shalt  }
0x71: {  	_ =	shalt  }
0x72: {  	_ =	shalt  }
0x73: {  	_ =	shalt  }
0x74: {  	_ =	shalt  }
0x75: {  	_ =	shalt  }
0x76: {  	_ =	shalt  }
0x77: {  	_ =	shalt  }
0x78: {  	_ =	shalt  }
0x79: {  	_ =	shalt  }
0x7a: {  	_ =	shalt  }
0x7b: {  	_ =	shalt  }
0x7c: {  	_ =	shalt  }
0x7d: {  	_ =	shalt  }
0x7e: {  	_ =	shalt  }
0x7f: {  	_ =	shalt  }
0x80: {  	_ =	shalt  }
0x81: {  	_ =	shalt  }
0x82: {  	_ =	shalt  }
0x83: {  	_ =	shalt  }
0x84: {  	_ =	shalt  }
0x85: {  	_ =	shalt  }
0x86: {  	_ =	shalt  }
0x87: {  	_ =	shalt  }
.Lfunc_end0:
.L_simem_size_0:
called_computation_lowered:
.L_overlay_start_0:
0x88: {  	s0 =	sld [smem:$0x3FD9]  }
0x89: {  	s1 =	sld [smem:$0x3FFE];
	_ =	sdelay $0x3  }
0x8a: {  	s0 =	sadd.s32 s1, s0  }
0x8b: {  	[smem:$0x3FC6] =	sst s0  }
0x8c: {  	_ = 	snop  }
0x8d: {  	s0 =	sld [smem:$0x3FC9]  }
0x8e: {  	s17 =	sld [smem:$0x3FC8]  }
0x8f: {  	s2 =	sld [smem:$0x3FD0];
	(tm) =	ssettm $0x1  }
0x90: {  	s3 =	sld [smem:$0x3FFB];
	_ =	sdelay $0x3  }
0x91: {  	_ =	strace s3  }
0x92: {  	s3 =	sld [smem:$0x3FFC];
	_ =	sdelay $0x3  }
0x93: {  	_ =	strace s3  }
0x94: {  	s3 =	sld [smem:$0x3FFD];
	_ =	sdelay $0x3  }
0x95: {  	_ =	strace s3  }
0x96: {  	_ =	strace $0x8FFFFFFF  }
0x97: {  	s18 =	sld [smem:$0x3FDB];
	_ =	sdelay $0x1  }
0x98: {  	s4 =	simm.s32 $_scs_section_size  }
0x99: {  	s5 =	simm.s32 $_size__tile_overlayer_lowered;
	s6 =	simm.s32 $_tile_overlayer_lowered  }
0x9a: {  	s21 =	simm.s32 $0x1BFF;
	s20 =	sshll.u32 s6, $0x1;
	s3 =	sadd.s32 s4, s18  }
0x9b: {  	s7 =	simm.s32 $0x0;
	s19 =	sshll.u32 s5, $0x1;
	s5 =	sadd.s32 s20, s3  }
0x9c: {  	[timem:s7], [sflag:s21] =	dma.local [hbm:s5], s19  }
0x9d: {  	_ =	swait.ge [sflag:s21], s19  }
0x9e: {  	s4 =	ssub.s32 $0x0, s19;
	[sflag:s21] =	ssyncset.done $0x0  }
0x9f: {  	[sflag:s21] =	ssyncadd.s32 s4;
	_ =	sdelay $0x1  }
0xa0: {  	s22 =	simm.s32 $0x1B8B  }
0xa1: {  	_ =	swait.ge [sflag:s22], $0x1  }
0xa2: {  	[sflag:s22] =	ssyncset.done $0x0  }
0xa3: {  	s23 =	simm.s32 $0x1B8E;
	[sflag:s22] =	ssyncadd.s32 $0xFFFFFFFF  }
0xa4: {  	s24 =	simm.s32 $execute0_lowered;
	[smem:$0x3FD2] =	sst s23  }
0xa5: {  	s4 =	sshll.u32 s24, $0x1;
	_ =	strace $0x80000046;
	[dreg:$0x1] =	wrdreg $0xFFFFFFFF  }
0xa6: {  	s25 =	simm.s32 $_size_execute0_lowered;
	s3 =	sadd.s32 s3, s4;
	[dreg:$0x0] =	wrdreg $0x0  }
0xa7: {  	s4 =	sshll.u32 s25, $0x1;
	[dreg:$0x2] =	wrdreg s3  }
0xa8: {  	[dreg:$0x3] =	wrdreg s4  }
0xa9: {  	[dreg:$0x4] =	wrdreg $0xC0  }
0xaa: {  	_ =	task [dreg:s7], $0x5FFFF  }
0xab: {  	[dreg:$0x1] =	wrdreg $0xFFFFFFFF  }
0xac: {  	[dreg:$0x0] =	wrdreg $0x60  }
0xad: {  	[dreg:$0x2] =	wrdreg s0  }
0xae: {  	[dreg:$0x3] =	wrdreg s17  }
0xaf: {  	[dreg:$0x4] =	wrdreg s2  }
0xb0: {  	[dreg:$0x5] =	wrdreg $0x9  }
0xb1: {  	_ =	task.clear_ibuf [dreg:s7], $0x6FFFF;
	_ =	strace $0x90000046  }
0xb2: {  	s26 =	simm.s32 $0x9;
	_ =	strace $0x80000048  }
0xb3: {  	_ =	swait.ge [sflag:s26], $0x1  }
0xb4: {  	[sflag:s26] =	ssyncadd.s32 $0xFFFFFFFF  }
0xb5: {  	_ =	strace $0x90000048  }
0xb6: {  	_ =	sfence  }
0xb7: {  	s28 =	sld [smem:$0x0];
	_ =	sdelay $0x1  }
0xb8: {  	s29 =	srdreg.scid  }
0xb9: {  	s30 =	sshll.u32 s29, $0xD;
	s31 =	sshrl.u32 s29, $0x2  }
0xba: {  	s1 =	sand.u32 $0x1, s29;
	s2 =	sand.u32 $0x4000, s30;
	s0 =	sadd.s32 s31, s28  }
0xbb: {  	s1 =	sor.u32 s2, s1;
	s0 =	sshll.u32 s0, $0x11  }
0xbc: {  	s0 =	sor.u32 s0, s1  }
0xbd: {  	s0 =	sadd.s32 $0x8F2B, s0  }
0xbe: {  	[sflag:s0] =	ssyncadd.remote.s32 $0x1  }
0xbf: {  	_ =	sfence.sel $0xFFFF  }
0xc0: {  	[dreg:$0x0] =	wrdreg $0xFFFFFFFF;
	(pc) =	sbr.abs _section_cstart, $3  }
0xc1: {  	[dreg:$0x1] =	wrdreg $0xFFFFFFFF  }
0xc2: {  	_ =	task.clear_ibuf [dreg:s7], $0x2FFFF;
	_ =	strace $0x9FFFFFFF  }
0xc3: {  	(tm) =	ssettm $0x7FFFFFFF  }
tec
execute0_lowered:
.L_overlay_start_1:
0x0: {  	(tag) =	ssettag $0x1  }
0x1: {  	s2 =	stileid.u32  }
0x2: {  	p0 =	sne.s32 s2, $0x0  }
.Ltmp0:
0x3: {  	_ = 	snop;
	(pc) =	sbr.rel @p0 .LBB2_2-.Ltmp0, $4  }
0x4: {  	s4 =	rddreg [dreg:$0x0]  }
0x5: {  	s3 =	rddreg [dreg:$0x1]  }
0x6: {  	s1 =	rddreg [dreg:$0x2]  }
0x7: {  	s0 =	rddreg [dreg:$0x3];
	_ =	strace $0x80000047  }
0x8: {  	s2 =	simm.s32 $0x0;
	s5 =	simm.s32 $0x8  }
0x9: {  	v0 =	vimm.f32 $0.0e+00;
	v1 =	vimm.s32 $0x8;
	[tilespmem:s5], [sflag:$0x1] =	stream.linear.gather [hbm4b:s4+s2], $0x3, $0x38;
	[tilespmem:$0x100] =	vst v63  }
0xa: {  	s29 =	simm.s32 $0x1;
	v2 =	vimm.s32 $0x9;
	[tilespmem:$0x80] =	vst v0  }
0xb: {  	v3 =	vimm.s32 $0xA;
	_ =	swait.ge [sflag:s29], $0x3  }
0xc: {  	[sflag:s29] =	ssyncset.done $0x0  }
0xd: {  	[sflag:s29] =	ssyncadd.s32 $0xFFFFFFFD  }
0xe: {  	v1 =	vld.idx.msk [tilespmem:v1+s2+$0x0], $0xffff  }
0xf: {  	v2 =	vld.idx.msk [tilespmem:v2+s2+$0x0], $0xffff  }
0x10: {  	v3 =	vld.idx.msk [tilespmem:v3+s2+$0x0], $0xffff;
	_ =	sdelay $0x2  }
0x11: {  	vm15 =	vmmov $0xff;
	vm1 =	vcmask $0x2F20;
	vm2 =	vcmask $0xF00  }
0x12: {  	vm3 =	vcmask $0x1710;
	vm4 =	vcmask $0x700;
	v1 =	vmul.f32 $2.550000000e+02, v1  }
0x13: {  	vm7 =	vcmask $0x2720;
	v2 =	vmul.f32 $2.550000000e+02, v2;
	v3 =	vmul.f32 $2.550000000e+02, v3  }
0x14: {  	vm8 =	vcmask $0x3730;
	v10 =	vlaneseq.u32;
	v4 =	vmax.f32 v1, $0.0e+00  }
0x15: {  	v5 =	vmax.f32 v2, $0.0e+00;
	v6 =	vmax.f32 v3, $0.0e+00;
	v4 =	vmin.f32 v4, $2.550000000e+02  }
0x16: {  	v5 =	vmin.f32 v5, $2.550000000e+02;
	v6 =	vmin.f32 v6, $2.550000000e+02;
	v4 =	vtrunc.f32 v4  }
0x17: {  	vm2 =	vmor vm2, vm1;
	v5 =	vtrunc.f32 v5;
	v6 =	vtrunc.f32 v6  }
0x18: {  	vm6 =	vmor vm4, vm3;
	v4 =	vcvt.f32.s32 v4;
	v5 =	vcvt.f32.s32 v5  }
0x19: {  	v10 =	vand.u32 $0x1, v10;
	vm1 =	vmor vm6, vm7;
	v6 =	vcvt.f32.s32 v6  }
0x1a: {  	vm1 =	vmor vm1, vm8;
	vm0 =	vgt.s32 v4, $0x0;
	vm13 =	vgt.s32 v5, $0x0  }
0x1b: {  	vm14 =	vgt.s32 v6, $0x0;
	v4 =	vnsel vm0, $0x0, v4;
	v5 =	vnsel vm13, $0x0, v5  }
0x1c: {  	v6 =	vnsel vm14, $0x0, v6;
	v7 =	vmin.u32 v4, $0xFF;
	v4 =	vmin.u32 v4, $0xFE  }
0x1d: {  	v8 =	vmin.u32 v5, $0xFE;
	v5 =	vmin.u32 v5, $0xFF;
	v9 =	vmin.u32 v6, $0xFF  }
0x1e: {  	v6 =	vmin.u32 v6, $0xFE;
	v4 =	vadd.s32 $0x1, v4;
	v8 =	vadd.s32 $0x1, v8  }
0x1f: {  	v6 =	vadd.s32 $0x1, v6;
	v4 =	vsel vm15, v7, v4;
	v8 =	vsel vm2, v5, v8  }
0x20: {  	v6 =	vsel vm1, v9, v6;
	v4 =	vshll.u32 v4, $0x11;
	v8 =	vshll.u32 v8, $0x9  }
0x21: {  	v55 =	vshll.u32 v6, $0x1;
	v6 =	vand.u32 $0x7F, v6;
	v4 =	vadd.s32 v4, v8  }
0x22: {  	v56 =	vmul.u32 $0x80, v10;
	v8 =	vand.u32 $0x300, v55;
	v4 =	vor.u32 v6, v4  }
0x23: {  	v4 =	vadd.s32 v4, v8  }
0x24: {  	v4 =	vor.u32 v56, v4  }
0x25: {  	v57 =	vcvt.s32.f32 v7;
	v5 =	vcvt.s32.f32 v5  }
0x26: {  	vm9 =	vmmov $0xffff;
	v58 =	vcvt.s32.f32 v9  }
0x27: {  	vm10 =	vge.f32 v1, $0.0e+00;
	v5 =	vsub.f32 v2, v5;
	v6 =	vsub.f32 v1, v57  }
0x28: {  	vm5 =	vle.f32 v1, $2.550000000e+02;
	vm6 =	vge.f32 v2, $0.0e+00;
	v59 =	vsub.f32 v3, v58  }
0x29: {  	vm7 =	vle.f32 v2, $2.550000000e+02;
	v61 =	vsub.f32 $1.000000000e+00, v5;
	v60 =	vsub.f32 $1.000000000e+00, v6;
	[tilespmem:s2], [sflag:$0x1] =	stream.indirect_vreg.gather [hbm4b:s3+s2], $0x1, v4, vm9, $0xb8;
	[tilespmem:$0x100] =	vst v63  }
0x2a: {  	vm11 =	vmand vm10, vm5;
	vm12 =	vmand vm6, vm7;
	_ =	swait.ge [sflag:s29], $0x10  }
0x2b: {  	v62 =	vsub.f32 $1.000000000e+00, v59;
	v2 =	vsel vm15, v60, v6;
	v4 =	vsel vm2, v61, v5;
	[sflag:s29] =	ssyncset.done $0x0  }
0x2c: {  	vm13 =	vge.f32 v3, $0.0e+00;
	vm14 =	vle.f32 v3, $2.550000000e+02;
	v2 =	vmul.f32 v4, v2;
	[sflag:s29] =	ssyncadd.s32 $0xFFFFFFF0  }
0x2d: {  	vm0 =	vmand vm13, vm14;
	v1 =	vsel vm1, v62, v59;
	vm15 =	vmand vm11, vm12;
	v63 =	vld [tilespmem:$0x0]  }
0x2e: {  	vm0 =	vmand vm15, vm0;
	v1 =	vmul.f32 v1, v2  }
0x2f: {  	v0 =	vsel vm0, $0x3F800000, v0  }
0x30: {  	v0 =	vmul.f32 v1, v0;
	_ =	sdelay $0x1  }
0x31: {  	v0 =	vmul.f32 v0, v63  }
0x32: {  	s30 =	simm.s32 $0x80  }
0x33: {  	s31 =	simm.s32 $0x2;
	[tilespmem:v10+s30+$0x0] =	vst.idx.add.f32.msk $0xffff, v0  }
0x34: {  	[hbm4b:s1+s2] =	stream.linear.scatter [tilespmem:s30], [sflag:$0x2], $0x2, $0x38;
	[tilespmem:$0x100] =	vst v63  }
0x35: {  	_ =	swait.ge [sflag:s31], $0x2  }
0x36: {  	[sflag:s31] =	ssyncset.done $0x0  }
0x37: {  	[sflag:s31] =	ssyncadd.s32 $0xFFFFFFFE  }
.LBB2_2:
0x38: {  	_ =	sfence.sel $0x180000  }
0x39: {  	[bflag:$0x0] =	sbarrier.arrive $0xFFFF  }
0x3a: {  	_ =	strace $0x90000047  }
0x3b: {  	s0 =	sadd.s32 @!p0 $0x100000, s0;
	[bflag:$0x2] =	sbarrier.arrive $0xFFFF  }
0x3c: {  	[sflag:s0] =	ssyncadd.tile.s32 @!p0 $0x1;
	_ =	shalt  }
.Lfunc_end2:
_tile_overlayer_lowered:
.L_overlay_start_2:
0x3d: {  	(tag) =	ssettag $0x2  }
0x3e: {  	s0 =	rddreg [dreg:$0x0];
	s2 =	stileid.u32  }
0x3f: {  	s1 =	rddreg [dreg:$0x1];
	p0 =	sne.s32 s2, $0x0  }
0x40: {  	s3 =	rddreg [dreg:$0x2];
	[bflag:$0x3] =	sbarrier.arrive $0xFFFF;
	s2 =	simm.s32 @!p0 $0x1C02  }
0x41: {  	[timem:s3], [sflag:s2] =	dma.local @!p0 [hbm:s0], s1  }
0x42: {  	s0 =	simm.s32 @!p0 $0x2  }
0x43: {  	_ =	swait.ge @!p0 [sflag:s0], s1  }
0x44: {  	s1 =	ssub.s32 @!p0 $0x0, s1;
	[sflag:s0] =	ssyncset.done @!p0 $0x0  }
0x45: {  	[sflag:s0] =	ssyncadd.s32 @!p0 s1  }
0x46: {  	[bflag:$0x3] =	sbarrier.arrive $0xFFFF  }
0x47: {  	_ =	shalt  }

</sc_bundles>
